<compile_context>
chip_gen: v7x
topology: tpu7x:2x2x1
jax: 0.10.2.dev20260603
libtpu: 0.0.44.dev20260713+nightly
codegen_flags: <defaults>
</compile_context>

<pallas_src>
import functools

import jax
import jax.numpy as jnp
from jax import lax
from jax.experimental import pallas as pl
from jax.experimental.pallas import tpu as pltpu
from jax.experimental.pallas import tpu_sc as plsc

B = 16384
F = 26
V = 100000
D = 13
E = 16
FE = F * E

NC = 2
NS = 16
NW = NC * NS

NIDX = (B * F) // NW
CW = 128
NCH = NIDX // CW
K = 8
NSTEP = NCH // K


def _sc_gather_body(idx_hbm, tfm_hbm, tlin_hbm, fm_hbm, lin_hbm,
                    idx_v, rows_v, lin_v, sem, sem2):
    c = lax.axis_index("c")
    s = lax.axis_index("s")
    wid = s * NC + c
    pltpu.sync_copy(idx_hbm.at[wid], idx_v)

    def step(j, carry):
        cp1 = pltpu.async_copy(tfm_hbm.at[idx_v.at[j]], rows_v, sem)
        cp2 = pltpu.async_copy(tlin_hbm.at[idx_v.at[j]], lin_v, sem2)
        cp1.wait()
        cp2.wait()
        pltpu.sync_copy(rows_v, fm_hbm.at[wid, j])
        pltpu.sync_copy(lin_v, lin_hbm.at[wid, j])
        return carry

    lax.fori_loop(0, NCH, step, 0)


@functools.cache
def _sc_gather_kernel():
    return pl.kernel(
        _sc_gather_body,
        out_type=(
            jax.ShapeDtypeStruct((NW, NCH, CW, E), jnp.float32),
            jax.ShapeDtypeStruct((NW, NCH, CW), jnp.float32),
        ),
        mesh=plsc.VectorSubcoreMesh(core_axis_name="c", subcore_axis_name="s",
                                    num_cores=NC, num_subcores=NS),
        scratch_types=[
            pltpu.VMEM((NCH, CW), jnp.int32),
            pltpu.VMEM((CW, E), jnp.float32),
            pltpu.VMEM((CW,), jnp.float32),
            pltpu.SemaphoreType.DMA,
            pltpu.SemaphoreType.DMA,
        ],
        compiler_params=pltpu.CompilerParams(use_tc_tiling_on_sc=False),
    )


def _tc_body(dense_ref, fm_ref, lin_ref, Wd_ref, W1a_ref, W1b_ref, b1_ref,
             W2_ref, b2_ref, W3_ref, b3_ref, W4_ref, sc_ref,
             fin_ref, like_ref):
    fm = fm_ref[...]
    dense = dense_ref[...]
    linv = lin_ref[...]

    j = lax.broadcasted_iota(jnp.int32, (FE, E), 0)
    e = lax.broadcasted_iota(jnp.int32, (FE, E), 1)
    S = (j % E == e).astype(jnp.float32)
    summed = jnp.dot(fm, S, preferred_element_type=jnp.float32)
    sqsum = jnp.dot(fm * fm, S, preferred_element_type=jnp.float32)
    second = 0.5 * jnp.sum(summed * summed - sqsum, axis=1, keepdims=True)

    first = (jnp.dot(dense, Wd_ref[...], preferred_element_type=jnp.float32)
             + jnp.sum(linv, axis=1, keepdims=True) + sc_ref[0])

    h = jnp.maximum(
        jnp.dot(dense, W1a_ref[...], preferred_element_type=jnp.float32)
        + jnp.dot(fm, W1b_ref[...], preferred_element_type=jnp.float32)
        + b1_ref[...], 0.0)
    h = jnp.maximum(
        jnp.dot(h, W2_ref[...], preferred_element_type=jnp.float32)
        + b2_ref[...], 0.0)
    h = jnp.maximum(
        jnp.dot(h, W3_ref[...], preferred_element_type=jnp.float32)
        + b3_ref[...], 0.0)
    dnn = jnp.dot(h, W4_ref[...], preferred_element_type=jnp.float32) + sc_ref[1]

    logits = first + second + dnn
    fin_ref[...] = jax.nn.sigmoid(logits * sc_ref[2] + sc_ref[3])
    like_ref[...] = jax.nn.sigmoid(logits * sc_ref[4] + sc_ref[5])


BLK = 512


def _tc_call(dense, fm_flat, lin, Wd, W1a, W1b, b1, W2, b2, W3, b3, W4, scal):
    nblk = B // BLK
    full = lambda shape: pl.BlockSpec(shape, lambda i: (0,) * len(shape))
    row = lambda width: pl.BlockSpec((BLK, width), lambda i: (i, 0))
    return pl.pallas_call(
        _tc_body,
        grid=(nblk,),
        in_specs=[
            row(D), row(FE), row(F),
            full((D, 1)), full((D, 200)), full((FE, 200)), full((1, 200)),
            full((200, 200)), full((1, 200)),
            full((200, 200)), full((1, 200)),
            full((200, 1)),
            pl.BlockSpec(memory_space=pltpu.SMEM),
        ],
        out_specs=[row(1), row(1)],
        out_shape=[
            jax.ShapeDtypeStruct((B, 1), jnp.float32),
            jax.ShapeDtypeStruct((B, 1), jnp.float32),
        ],
    )(dense, fm_flat, lin, Wd, W1a, W1b, b1, W2, b2, W3, b3, W4, scal)


def kernel(sparse_inputs, dense_inputs, Wd, bd, Tlin, Tfm,
           W1, b1, W2, b2, W3, b3, W4, b4, Wf, bf, Wl, bl):
    flat_idx = (sparse_inputs
                + jnp.arange(F, dtype=jnp.int32)[None, :] * V)
    flat_idx = flat_idx.reshape(NW, NCH, CW)
    tfm_flat = Tfm.reshape(F * V, E)
    tlin_flat = Tlin.reshape(F * V)

    fm4, lin3 = _sc_gather_kernel()(flat_idx, tfm_flat, tlin_flat)
    fm_flat = fm4.reshape(B, FE)
    lin = lin3.reshape(B, F)

    scal = jnp.concatenate([
        bd, b4, Wf[0], bf, Wl[0], bl, jnp.zeros((2,), jnp.float32)])
    fin, like = _tc_call(dense_inputs, fm_flat, lin,
                         Wd, W1[:D], W1[D:], b1.reshape(1, 200),
                         W2, b2.reshape(1, 200), W3, b3.reshape(1, 200),
                         W4, scal)
    return (fin, like)

# --- scband reference (transcript-rebuilt; emitter-appended) ---
"""Pipeline reference for scband-deep-fm-mtl-56770877719161 (READ-ONLY COPY).

The authoritative reference and input builder live on the scoring server;
editing this copy changes nothing except your own understanding.
"""

import jax, jax.numpy as jnp
import numpy as np

B = 16384
F = 26
V = 100000
D = 13
E = 16


def setup_inputs(seed: int = 0) -> dict:
    key = jax.random.key(seed)
    ks = jax.random.split(key, 20)
    sparse_inputs = jax.random.randint(ks[0], (B, F), 0, V, dtype=jnp.int32)
    dense_inputs = jax.random.normal(ks[1], (B, D), dtype=jnp.float32)
    Wd = jax.random.normal(ks[2], (D, 1), dtype=jnp.float32) * 0.05
    bd = jnp.zeros((1,), dtype=jnp.float32)
    Tlin = jax.random.normal(ks[3], (F, V, 1), dtype=jnp.float32) * 0.01
    Tfm = jax.random.normal(ks[4], (F, V, E), dtype=jnp.float32) * 0.01
    dnn_in = D + F * E
    W1 = jax.random.normal(ks[5], (dnn_in, 200), dtype=jnp.float32) * 0.05
    b1 = jnp.zeros((200,), dtype=jnp.float32)
    W2 = jax.random.normal(ks[6], (200, 200), dtype=jnp.float32) * 0.05
    b2 = jnp.zeros((200,), dtype=jnp.float32)
    W3 = jax.random.normal(ks[7], (200, 200), dtype=jnp.float32) * 0.05
    b3 = jnp.zeros((200,), dtype=jnp.float32)
    W4 = jax.random.normal(ks[8], (200, 1), dtype=jnp.float32) * 0.05
    b4 = jnp.zeros((1,), dtype=jnp.float32)
    Wf = jax.random.normal(ks[9], (1, 1), dtype=jnp.float32) * 0.5
    bf = jnp.zeros((1,), dtype=jnp.float32)
    Wl = jax.random.normal(ks[10], (1, 1), dtype=jnp.float32) * 0.5
    bl = jnp.zeros((1,), dtype=jnp.float32)
    return {
        'sparse_inputs': sparse_inputs, 'dense_inputs': dense_inputs,
        'Wd': Wd, 'bd': bd, 'Tlin': Tlin, 'Tfm': Tfm,
        'W1': W1, 'b1': b1, 'W2': W2, 'b2': b2,
        'W3': W3, 'b3': b3, 'W4': W4, 'b4': b4,
        'Wf': Wf, 'bf': bf, 'Wl': Wl, 'bl': bl,
    }


def reference(sparse_inputs, dense_inputs, Wd, bd, Tlin, Tfm,
              W1, b1, W2, b2, W3, b3, W4, b4, Wf, bf, Wl, bl):
    b = dense_inputs.shape[0]
    # per-field embedding gather: table[i][sparse[:, i]]
    gather = jax.vmap(lambda tbl, idx: tbl[idx], in_axes=(0, 1), out_axes=1)
    # first order
    linear_dense_out = dense_inputs @ Wd + bd  # [B, 1]
    lin_emb = gather(Tlin, sparse_inputs)      # [B, F, 1]
    linear_sparse_out = jnp.sum(lin_emb[..., 0], axis=1, keepdims=True)  # [B, 1]
    first_order = linear_dense_out + linear_sparse_out
    # second order (FM)
    fm_input = gather(Tfm, sparse_inputs)      # [B, F, E]
    summed = jnp.sum(fm_input, axis=1)         # [B, E]
    squared_sum = jnp.square(summed)
    squared = jnp.sum(jnp.square(fm_input), axis=1)
    second_order = 0.5 * jnp.sum(squared_sum - squared, axis=1, keepdims=True)
    # DNN (dropout is identity at inference)
    flat = fm_input.reshape(b, F * E)
    dnn_input = jnp.concatenate([dense_inputs, flat], axis=1)
    h = jax.nn.relu(dnn_input @ W1 + b1)
    h = jax.nn.relu(h @ W2 + b2)
    h = jax.nn.relu(h @ W3 + b3)
    dnn_output = h @ W4 + b4
    logits = first_order + second_order + dnn_output
    finish = jax.nn.sigmoid(logits @ Wf + bf)
    like = jax.nn.sigmoid(logits @ Wl + bl)
    return (finish, like)

if __name__ == "__main__":
    import jax
    _d = setup_inputs()
    print(jax.jit(kernel)(*tuple(_d.values())))

</pallas_src>

<mosaic_0001>
#map = affine_map<(d0, d1) -> (0, 0, 0)>
#map1 = affine_map<(d0, d1) -> (0, 0)>
#map2 = affine_map<(d0, d1) -> (0)>
#map3 = affine_map<(d0, d1) -> (0, 0, 0, 0)>
module attributes {stable_mosaic.version = 14 : i64} {
  func.func @_sc_gather_body(%arg0: i32, %arg1: i32, %arg2: memref<32x104x128xi32, #tpu.memory_space<hbm>>, %arg3: memref<2600000x16xf32, #tpu.memory_space<hbm>>, %arg4: memref<2600000xf32, #tpu.memory_space<hbm>>, %arg5: memref<32x104x128x16xf32, #tpu.memory_space<hbm>>, %arg6: memref<32x104x128xf32, #tpu.memory_space<hbm>>, %arg7: memref<104x128xi32, #tpu.memory_space<vmem>>, %arg8: memref<128x16xf32, #tpu.memory_space<vmem>>, %arg9: memref<128xf32, #tpu.memory_space<vmem>>, %arg10: memref<!tpu.dma_semaphore, #tpu.memory_space<semaphore_mem>>, %arg11: memref<!tpu.dma_semaphore, #tpu.memory_space<semaphore_mem>>) attributes {dimension_semantics = [#tpu.dimension_semantics<core_parallel>, #tpu.dimension_semantics<subcore_parallel>], iteration_bounds = array<i64: 2, 16>, scalar_prefetch = 0 : i64, scratch_operands = 5 : i64, tpu.core_type = #tpu.core_type<sc_vector_subcore>, window_params = [{transform_indices = #map}, {transform_indices = #map1}, {transform_indices = #map2}, {transform_indices = #map3}, {transform_indices = #map}]} {
    %mul3A = arith.constant 2 : i32
    %mul3A_0 = arith.muli %arg1, %mul3A : i32
    %add3A = arith.addi %mul3A_0, %arg0 : i32
    "tpu.region"() ({
      %run_scoped3A = tpu.sem_alloc : memref<!tpu.dma_semaphore, #tpu.memory_space<semaphore_mem>>
      %dma_start3A = arith.constant 0 : i32
      %dma_start3A_6 = arith.constant 0 : i32
      %dma_start3A_7 = tpu.memref_slice %arg2[%add3A, %dma_start3A, %dma_start3A_6] : memref<32x104x128xi32, #tpu.memory_space<hbm>> -> memref<1x104x128xi32, #tpu.memory_space<hbm>>
      %dma_start3A_8 = tpu.memref_squeeze %dma_start3A_7 : memref<1x104x128xi32, #tpu.memory_space<hbm>> -> memref<104x128xi32, #tpu.memory_space<hbm>>
      %dma_start3A_9 = arith.constant 0 : i32
      %dma_start3A_10 = arith.constant 0 : i32
      %dma_start3A_11 = tpu.memref_slice %arg2[%add3A, %dma_start3A_9, %dma_start3A_10] : memref<32x104x128xi32, #tpu.memory_space<hbm>> -> memref<1x104x128xi32, #tpu.memory_space<hbm>>
      %dma_start3A_12 = tpu.memref_squeeze %dma_start3A_11 : memref<1x104x128xi32, #tpu.memory_space<hbm>> -> memref<104x128xi32, #tpu.memory_space<hbm>>
      tpu.enqueue_dma source(%dma_start3A_12 : memref<104x128xi32, #tpu.memory_space<hbm>>) target(%arg7 : memref<104x128xi32, #tpu.memory_space<vmem>>) target_semaphore(%run_scoped3A : memref<!tpu.dma_semaphore, #tpu.memory_space<semaphore_mem>>)
      %dma_wait3A = arith.constant 0 : i32
      %dma_wait3A_13 = arith.constant 0 : i32
      %dma_wait3A_14 = tpu.memref_slice %arg2[%add3A, %dma_wait3A, %dma_wait3A_13] : memref<32x104x128xi32, #tpu.memory_space<hbm>> -> memref<1x104x128xi32, #tpu.memory_space<hbm>>
      %dma_wait3A_15 = tpu.memref_squeeze %dma_wait3A_14 : memref<1x104x128xi32, #tpu.memory_space<hbm>> -> memref<104x128xi32, #tpu.memory_space<hbm>>
      %dma_wait3A_16 = arith.constant 0 : i32
      %dma_wait3A_17 = arith.constant 0 : i32
      %dma_wait3A_18 = tpu.memref_slice %arg2[%add3A, %dma_wait3A_16, %dma_wait3A_17] : memref<32x104x128xi32, #tpu.memory_space<hbm>> -> memref<1x104x128xi32, #tpu.memory_space<hbm>>
      %dma_wait3A_19 = tpu.memref_squeeze %dma_wait3A_18 : memref<1x104x128xi32, #tpu.memory_space<hbm>> -> memref<104x128xi32, #tpu.memory_space<hbm>>
      tpu.wait_dma2 semaphore(%run_scoped3A : memref<!tpu.dma_semaphore, #tpu.memory_space<semaphore_mem>>) src(%dma_wait3A_19 : memref<104x128xi32, #tpu.memory_space<hbm>>) dst(%arg7 : memref<104x128xi32, #tpu.memory_space<vmem>>)
      tpu.yield
    }) : () -> ()
    %scan3A = arith.constant 0 : i32
    %scan3A_1 = arith.constant 0 : i32
    %scan3A_2 = arith.constant 104 : i32
    %scan3A_3 = arith.addi %scan3A_1, %scan3A_2 : i32
    %scan3A_4 = arith.constant 1 : i32
    scf.for %scan3A_6 = %scan3A_1 to %scan3A_3 step %scan3A_4  : i32 {
      %dma_start3A = arith.constant 0 : i32
      %dma_start3A_7 = tpu.memref_slice %arg7[%scan3A_6, %dma_start3A] : memref<104x128xi32, #tpu.memory_space<vmem>> -> memref<1x128xi32, #tpu.memory_space<vmem>>
      %dma_start3A_8 = tpu.memref_squeeze %dma_start3A_7 : memref<1x128xi32, #tpu.memory_space<vmem>> -> memref<128xi32, #tpu.memory_space<vmem>>
      %dma_start3A_9 = arith.constant 0 : i32
      %dma_start3A_10 = arith.constant 0 : i32
      %dma_start3A_11 = tpu.memref_slice %arg3[%dma_start3A_9, %dma_start3A_10] : memref<2600000x16xf32, #tpu.memory_space<hbm>> -> memref<2600000x16xf32, #tpu.memory_space<hbm>>
      tpu.enqueue_indirect_dma source(%dma_start3A_11 : memref<2600000x16xf32, #tpu.memory_space<hbm>>) target(%arg8 : memref<128x16xf32, #tpu.memory_space<vmem>>) offsets(%dma_start3A_8 : memref<128xi32, #tpu.memory_space<vmem>>) semaphore(%arg10 : memref<!tpu.dma_semaphore, #tpu.memory_space<semaphore_mem>>)
      %dma_start3A_12 = arith.constant 0 : i32
      %dma_start3A_13 = tpu.memref_slice %arg7[%scan3A_6, %dma_start3A_12] : memref<104x128xi32, #tpu.memory_space<vmem>> -> memref<1x128xi32, #tpu.memory_space<vmem>>
      %dma_start3A_14 = tpu.memref_squeeze %dma_start3A_13 : memref<1x128xi32, #tpu.memory_space<vmem>> -> memref<128xi32, #tpu.memory_space<vmem>>
      %dma_start3A_15 = arith.constant 0 : i32
      %dma_start3A_16 = tpu.memref_slice %arg4[%dma_start3A_15] : memref<2600000xf32, #tpu.memory_space<hbm>> -> memref<2600000xf32, #tpu.memory_space<hbm>>
      tpu.enqueue_indirect_dma source(%dma_start3A_16 : memref<2600000xf32, #tpu.memory_space<hbm>>) target(%arg9 : memref<128xf32, #tpu.memory_space<vmem>>) offsets(%dma_start3A_14 : memref<128xi32, #tpu.memory_space<vmem>>) semaphore(%arg11 : memref<!tpu.dma_semaphore, #tpu.memory_space<semaphore_mem>>)
      %dma_wait3A = arith.constant 0 : i32
      %dma_wait3A_17 = tpu.memref_slice %arg7[%scan3A_6, %dma_wait3A] : memref<104x128xi32, #tpu.memory_space<vmem>> -> memref<1x128xi32, #tpu.memory_space<vmem>>
      %dma_wait3A_18 = tpu.memref_squeeze %dma_wait3A_17 : memref<1x128xi32, #tpu.memory_space<vmem>> -> memref<128xi32, #tpu.memory_space<vmem>>
      %dma_wait3A_19 = arith.constant 0 : i32
      %dma_wait3A_20 = arith.constant 0 : i32
      %dma_wait3A_21 = tpu.memref_slice %arg3[%dma_wait3A_19, %dma_wait3A_20] : memref<2600000x16xf32, #tpu.memory_space<hbm>> -> memref<2600000x16xf32, #tpu.memory_space<hbm>>
      tpu.wait_indirect_dma semaphore(%arg10 : memref<!tpu.dma_semaphore, #tpu.memory_space<semaphore_mem>>) src(%dma_wait3A_21 : memref<2600000x16xf32, #tpu.memory_space<hbm>>) dst(%arg8 : memref<128x16xf32, #tpu.memory_space<vmem>>)
      %dma_wait3A_22 = arith.constant 0 : i32
      %dma_wait3A_23 = tpu.memref_slice %arg7[%scan3A_6, %dma_wait3A_22] : memref<104x128xi32, #tpu.memory_space<vmem>> -> memref<1x128xi32, #tpu.memory_space<vmem>>
      %dma_wait3A_24 = tpu.memref_squeeze %dma_wait3A_23 : memref<1x128xi32, #tpu.memory_space<vmem>> -> memref<128xi32, #tpu.memory_space<vmem>>
      %dma_wait3A_25 = arith.constant 0 : i32
      %dma_wait3A_26 = tpu.memref_slice %arg4[%dma_wait3A_25] : memref<2600000xf32, #tpu.memory_space<hbm>> -> memref<2600000xf32, #tpu.memory_space<hbm>>
      tpu.wait_indirect_dma semaphore(%arg11 : memref<!tpu.dma_semaphore, #tpu.memory_space<semaphore_mem>>) src(%dma_wait3A_26 : memref<2600000xf32, #tpu.memory_space<hbm>>) dst(%arg9 : memref<128xf32, #tpu.memory_space<vmem>>)
      "tpu.region"() ({
        %run_scoped3A = tpu.sem_alloc : memref<!tpu.dma_semaphore, #tpu.memory_space<semaphore_mem>>
        %dma_start3A_27 = arith.constant 0 : i32
        %dma_start3A_28 = arith.constant 0 : i32
        %dma_start3A_29 = tpu.memref_slice %arg5[%add3A, %scan3A_6, %dma_start3A_27, %dma_start3A_28] : memref<32x104x128x16xf32, #tpu.memory_space<hbm>> -> memref<1x1x128x16xf32, #tpu.memory_space<hbm>>
        %dma_start3A_30 = tpu.memref_squeeze %dma_start3A_29 : memref<1x1x128x16xf32, #tpu.memory_space<hbm>> -> memref<128x16xf32, #tpu.memory_space<hbm>>
        %dma_start3A_31 = arith.constant 0 : i32
        %dma_start3A_32 = arith.constant 0 : i32
        %dma_start3A_33 = tpu.memref_slice %arg5[%add3A, %scan3A_6, %dma_start3A_31, %dma_start3A_32] : memref<32x104x128x16xf32, #tpu.memory_space<hbm>> -> memref<1x1x128x16xf32, #tpu.memory_space<hbm>>
        %dma_start3A_34 = tpu.memref_squeeze %dma_start3A_33 : memref<1x1x128x16xf32, #tpu.memory_space<hbm>> -> memref<128x16xf32, #tpu.memory_space<hbm>>
        tpu.enqueue_dma source(%arg8 : memref<128x16xf32, #tpu.memory_space<vmem>>) target(%dma_start3A_34 : memref<128x16xf32, #tpu.memory_space<hbm>>) target_semaphore(%run_scoped3A : memref<!tpu.dma_semaphore, #tpu.memory_space<semaphore_mem>>)
        %dma_wait3A_35 = arith.constant 0 : i32
        %dma_wait3A_36 = arith.constant 0 : i32
        %dma_wait3A_37 = tpu.memref_slice %arg5[%add3A, %scan3A_6, %dma_wait3A_35, %dma_wait3A_36] : memref<32x104x128x16xf32, #tpu.memory_space<hbm>> -> memref<1x1x128x16xf32, #tpu.memory_space<hbm>>
        %dma_wait3A_38 = tpu.memref_squeeze %dma_wait3A_37 : memref<1x1x128x16xf32, #tpu.memory_space<hbm>> -> memref<128x16xf32, #tpu.memory_space<hbm>>
        %dma_wait3A_39 = arith.constant 0 : i32
        %dma_wait3A_40 = arith.constant 0 : i32
        %dma_wait3A_41 = tpu.memref_slice %arg5[%add3A, %scan3A_6, %dma_wait3A_39, %dma_wait3A_40] : memref<32x104x128x16xf32, #tpu.memory_space<hbm>> -> memref<1x1x128x16xf32, #tpu.memory_space<hbm>>
        %dma_wait3A_42 = tpu.memref_squeeze %dma_wait3A_41 : memref<1x1x128x16xf32, #tpu.memory_space<hbm>> -> memref<128x16xf32, #tpu.memory_space<hbm>>
        tpu.wait_dma2 semaphore(%run_scoped3A : memref<!tpu.dma_semaphore, #tpu.memory_space<semaphore_mem>>) src(%arg8 : memref<128x16xf32, #tpu.memory_space<vmem>>) dst(%dma_wait3A_42 : memref<128x16xf32, #tpu.memory_space<hbm>>)
        tpu.yield
      }) : () -> ()
      "tpu.region"() ({
        %run_scoped3A = tpu.sem_alloc : memref<!tpu.dma_semaphore, #tpu.memory_space<semaphore_mem>>
        %dma_start3A_27 = arith.constant 0 : i32
        %dma_start3A_28 = tpu.memref_slice %arg6[%add3A, %scan3A_6, %dma_start3A_27] : memref<32x104x128xf32, #tpu.memory_space<hbm>> -> memref<1x1x128xf32, #tpu.memory_space<hbm>>
        %dma_start3A_29 = tpu.memref_squeeze %dma_start3A_28 : memref<1x1x128xf32, #tpu.memory_space<hbm>> -> memref<128xf32, #tpu.memory_space<hbm>>
        %dma_start3A_30 = arith.constant 0 : i32
        %dma_start3A_31 = tpu.memref_slice %arg6[%add3A, %scan3A_6, %dma_start3A_30] : memref<32x104x128xf32, #tpu.memory_space<hbm>> -> memref<1x1x128xf32, #tpu.memory_space<hbm>>
        %dma_start3A_32 = tpu.memref_squeeze %dma_start3A_31 : memref<1x1x128xf32, #tpu.memory_space<hbm>> -> memref<128xf32, #tpu.memory_space<hbm>>
        tpu.enqueue_dma source(%arg9 : memref<128xf32, #tpu.memory_space<vmem>>) target(%dma_start3A_32 : memref<128xf32, #tpu.memory_space<hbm>>) target_semaphore(%run_scoped3A : memref<!tpu.dma_semaphore, #tpu.memory_space<semaphore_mem>>)
        %dma_wait3A_33 = arith.constant 0 : i32
        %dma_wait3A_34 = tpu.memref_slice %arg6[%add3A, %scan3A_6, %dma_wait3A_33] : memref<32x104x128xf32, #tpu.memory_space<hbm>> -> memref<1x1x128xf32, #tpu.memory_space<hbm>>
        %dma_wait3A_35 = tpu.memref_squeeze %dma_wait3A_34 : memref<1x1x128xf32, #tpu.memory_space<hbm>> -> memref<128xf32, #tpu.memory_space<hbm>>
        %dma_wait3A_36 = arith.constant 0 : i32
        %dma_wait3A_37 = tpu.memref_slice %arg6[%add3A, %scan3A_6, %dma_wait3A_36] : memref<32x104x128xf32, #tpu.memory_space<hbm>> -> memref<1x1x128xf32, #tpu.memory_space<hbm>>
        %dma_wait3A_38 = tpu.memref_squeeze %dma_wait3A_37 : memref<1x1x128xf32, #tpu.memory_space<hbm>> -> memref<128xf32, #tpu.memory_space<hbm>>
        tpu.wait_dma2 semaphore(%run_scoped3A : memref<!tpu.dma_semaphore, #tpu.memory_space<semaphore_mem>>) src(%arg9 : memref<128xf32, #tpu.memory_space<vmem>>) dst(%dma_wait3A_38 : memref<128xf32, #tpu.memory_space<hbm>>)
        tpu.yield
      }) : () -> ()
    }
    %scan3A_5 = arith.constant 104 : i32
    return
  }
}

module attributes {stable_mosaic.version = 14 : i64} {
  func.func @_tc_body(%arg0: i32, %arg1: memref<512x13xf32, #tpu.memory_space<vmem>>, %arg2: memref<512x416xf32, #tpu.memory_space<vmem>>, %arg3: memref<512x26xf32, #tpu.memory_space<vmem>>, %arg4: memref<13x1xf32, #tpu.memory_space<vmem>>, %arg5: memref<13x200xf32, #tpu.memory_space<vmem>>, %arg6: memref<416x200xf32, #tpu.memory_space<vmem>>, %arg7: memref<1x200xf32, #tpu.memory_space<vmem>>, %arg8: memref<200x200xf32, #tpu.memory_space<vmem>>, %arg9: memref<1x200xf32, #tpu.memory_space<vmem>>, %arg10: memref<200x200xf32, #tpu.memory_space<vmem>>, %arg11: memref<1x200xf32, #tpu.memory_space<vmem>>, %arg12: memref<200x1xf32, #tpu.memory_space<vmem>>, %arg13: memref<8xf32, #tpu.memory_space<smem>>, %arg14: memref<512x1xf32, #tpu.memory_space<vmem>>, %arg15: memref<512x1xf32, #tpu.memory_space<vmem>>) attributes {dimension_semantics = [#tpu.dimension_semantics<arbitrary>], iteration_bounds = array<i64: 32>, scalar_prefetch = 0 : i64, scratch_operands = 0 : i64, tpu.core_type = #tpu.core_type<tc>, window_params = [{transform_indices = @transform_0, window_bounds = array<i64: 512, 13>}, {transform_indices = @transform_1, window_bounds = array<i64: 512, 416>}, {transform_indices = @transform_2, window_bounds = array<i64: 512, 26>}, {pipeline_mode = #tpu.pipeline_mode<synchronous>, transform_indices = @transform_3, window_bounds = array<i64: 13, 1>}, {pipeline_mode = #tpu.pipeline_mode<synchronous>, transform_indices = @transform_4, window_bounds = array<i64: 13, 200>}, {pipeline_mode = #tpu.pipeline_mode<synchronous>, transform_indices = @transform_5, window_bounds = array<i64: 416, 200>}, {pipeline_mode = #tpu.pipeline_mode<synchronous>, transform_indices = @transform_6, window_bounds = array<i64: 1, 200>}, {pipeline_mode = #tpu.pipeline_mode<synchronous>, transform_indices = @transform_7, window_bounds = array<i64: 200, 200>}, {pipeline_mode = #tpu.pipeline_mode<synchronous>, transform_indices = @transform_8, window_bounds = array<i64: 1, 200>}, {pipeline_mode = #tpu.pipeline_mode<synchronous>, transform_indices = @transform_9, window_bounds = array<i64: 200, 200>}, {pipeline_mode = #tpu.pipeline_mode<synchronous>, transform_indices = @transform_10, window_bounds = array<i64: 1, 200>}, {pipeline_mode = #tpu.pipeline_mode<synchronous>, transform_indices = @transform_11, window_bounds = array<i64: 200, 1>}, {transform_indices = @transform_12, window_bounds = array<i64: 8>}, {transform_indices = @transform_13, window_bounds = array<i64: 512, 1>}, {transform_indices = @transform_14, window_bounds = array<i64: 512, 1>}]} {
    %get3A = arith.constant 0 : index
    %get3A_0 = arith.constant 0 : index
    %get3A_1 = vector.load %arg2[%get3A, %get3A_0] : memref<512x416xf32, #tpu.memory_space<vmem>>, vector<512x416xf32>
    %get3A_2 = arith.constant 0 : index
    %get3A_3 = arith.constant 0 : index
    %get3A_4 = vector.load %arg1[%get3A_2, %get3A_3] : memref<512x13xf32, #tpu.memory_space<vmem>>, vector<512x13xf32>
    %get3A_5 = arith.constant 0 : index
    %get3A_6 = arith.constant 0 : index
    %get3A_7 = vector.load %arg3[%get3A_5, %get3A_6] : memref<512x26xf32, #tpu.memory_space<vmem>>, vector<512x26xf32>
    %iota3A = tpu.iota {dimensions = array<i32: 0>} : vector<416x16xi32>
    %iota3A_8 = tpu.iota {dimensions = array<i32: 1>} : vector<416x16xi32>
    %jit3A = arith.constant 16 : i32
    %eq3A = arith.constant 0 : i32
    %eq3A_9 = arith.cmpi eq, %jit3A, %eq3A : i32
    %jit3A_10 = arith.constant 1 : i32
    %select_n3A = arith.select %eq3A_9, %jit3A_10, %jit3A : i32
    %rem3A = vector.broadcast %select_n3A : i32 to vector<416x16xi32>
    %rem3A_11 = arith.remsi %iota3A, %rem3A : vector<416x16xi32>
    %ne3A = arith.constant 0 : i32
    %ne3A_12 = vector.broadcast %ne3A : i32 to vector<416x16xi32>
    %ne3A_13 = arith.cmpi ne, %rem3A_11, %ne3A_12 : vector<416x16xi32>
    %lt3A = arith.constant 0 : i32
    %lt3A_14 = vector.broadcast %lt3A : i32 to vector<416x16xi32>
    %lt3A_15 = arith.cmpi slt, %rem3A_11, %lt3A_14 : vector<416x16xi32>
    %lt3A_16 = arith.constant 0 : i32
    %lt3A_17 = arith.cmpi slt, %select_n3A, %lt3A_16 : i32
    %ne3A_18 = vector.broadcast %lt3A_17 : i1 to vector<416x16xi1>
    %ne3A_19 = vector.broadcast %ne3A_18 : vector<416x16xi1> to vector<416x16xi1>
    %ne3A_20 = arith.xori %lt3A_15, %ne3A_19 : vector<416x16xi1>
    %and3A = arith.andi %ne3A_20, %ne3A_13 : vector<416x16xi1>
    %add3A = vector.broadcast %select_n3A : i32 to vector<416x16xi32>
    %add3A_21 = arith.addi %rem3A_11, %add3A : vector<416x16xi32>
    %select_n3A_22 = arith.select %and3A, %add3A_21, %rem3A_11 : vector<416x16xi1>, vector<416x16xi32>
    %eq3A_23 = arith.cmpi eq, %select_n3A_22, %iota3A_8 : vector<416x16xi32>
    %convert_element_type3A = arith.extui %eq3A_23 : vector<416x16xi1> to vector<416x16xi32>
    %convert_element_type3A_24 = arith.sitofp %convert_element_type3A : vector<416x16xi32> to vector<416x16xf32>
    %dot_general3A = arith.constant dense<0.000000e+00> : vector<512x16xf32>
    %dot_general3A_25 = tpu.matmul %get3A_1, %convert_element_type3A_24, %dot_general3A {dimension_numbers = #tpu.dot_dimension_numbers<[1], [0], [0], [1], [0, 0, 1, 1], [], []>, transpose_lhs_hint = false} : vector<512x416xf32>, vector<416x16xf32>, vector<512x16xf32> -> vector<512x16xf32>
    %mul3A = arith.mulf %get3A_1, %get3A_1 : vector<512x416xf32>
    %dot_general3A_26 = arith.constant dense<0.000000e+00> : vector<512x16xf32>
    %dot_general3A_27 = tpu.matmul %mul3A, %convert_element_type3A_24, %dot_general3A_26 {dimension_numbers = #tpu.dot_dimension_numbers<[1], [0], [0], [1], [0, 0, 1, 1], [], []>, transpose_lhs_hint = false} : vector<512x416xf32>, vector<416x16xf32>, vector<512x16xf32> -> vector<512x16xf32>
    %mul3A_28 = arith.mulf %dot_general3A_25, %dot_general3A_25 : vector<512x16xf32>
    %sub3A = arith.subf %mul3A_28, %dot_general3A_27 : vector<512x16xf32>
    %reduce_sum3A = arith.constant dense<0.000000e+00> : vector<512xf32>
    %reduce_sum3A_29 = vector.multi_reduction <add>, %sub3A, %reduce_sum3A [1] : vector<512x16xf32> to vector<512xf32>
    %broadcast_in_dim3A = vector.shape_cast %reduce_sum3A_29 : vector<512xf32> to vector<512x1xf32>
    %mul3A_30 = arith.constant 5.000000e-01 : f32
    %mul3A_31 = vector.broadcast %mul3A_30 : f32 to vector<512x1xf32>
    %mul3A_32 = arith.mulf %mul3A_31, %broadcast_in_dim3A : vector<512x1xf32>
    %get3A_33 = arith.constant 0 : index
    %get3A_34 = arith.constant 0 : index
    %get3A_35 = vector.load %arg4[%get3A_33, %get3A_34] : memref<13x1xf32, #tpu.memory_space<vmem>>, vector<13x1xf32>
    %dot_general3A_36 = arith.constant dense<0.000000e+00> : vector<512x1xf32>
    %dot_general3A_37 = tpu.matmul %get3A_4, %get3A_35, %dot_general3A_36 {dimension_numbers = #tpu.dot_dimension_numbers<[1], [0], [0], [1], [0, 0, 1, 1], [], []>, transpose_lhs_hint = false} : vector<512x13xf32>, vector<13x1xf32>, vector<512x1xf32> -> vector<512x1xf32>
    %reduce_sum3A_38 = arith.constant dense<0.000000e+00> : vector<512xf32>
    %reduce_sum3A_39 = vector.multi_reduction <add>, %get3A_7, %reduce_sum3A_38 [1] : vector<512x26xf32> to vector<512xf32>
    %broadcast_in_dim3A_40 = vector.shape_cast %reduce_sum3A_39 : vector<512xf32> to vector<512x1xf32>
    %add3A_41 = arith.addf %dot_general3A_37, %broadcast_in_dim3A_40 : vector<512x1xf32>
    %get3A_42 = arith.constant 0 : index
    %get3A_43 = memref.load %arg13[%get3A_42] : memref<8xf32, #tpu.memory_space<smem>>
    %add3A_44 = vector.broadcast %get3A_43 : f32 to vector<512x1xf32>
    %add3A_45 = arith.addf %add3A_41, %add3A_44 : vector<512x1xf32>
    %get3A_46 = arith.constant 0 : index
    %get3A_47 = arith.constant 0 : index
    %get3A_48 = vector.load %arg5[%get3A_46, %get3A_47] : memref<13x200xf32, #tpu.memory_space<vmem>>, vector<13x200xf32>
    %dot_general3A_49 = arith.constant dense<0.000000e+00> : vector<512x200xf32>
    %dot_general3A_50 = tpu.matmul %get3A_4, %get3A_48, %dot_general3A_49 {dimension_numbers = #tpu.dot_dimension_numbers<[1], [0], [0], [1], [0, 0, 1, 1], [], []>, transpose_lhs_hint = false} : vector<512x13xf32>, vector<13x200xf32>, vector<512x200xf32> -> vector<512x200xf32>
    %get3A_51 = arith.constant 0 : index
    %get3A_52 = arith.constant 0 : index
    %get3A_53 = vector.load %arg6[%get3A_51, %get3A_52] : memref<416x200xf32, #tpu.memory_space<vmem>>, vector<416x200xf32>
    %dot_general3A_54 = arith.constant dense<0.000000e+00> : vector<512x200xf32>
    %dot_general3A_55 = tpu.matmul %get3A_1, %get3A_53, %dot_general3A_54 {dimension_numbers = #tpu.dot_dimension_numbers<[1], [0], [0], [1], [0, 0, 1, 1], [], []>, transpose_lhs_hint = false} : vector<512x416xf32>, vector<416x200xf32>, vector<512x200xf32> -> vector<512x200xf32>
    %add3A_56 = arith.addf %dot_general3A_50, %dot_general3A_55 : vector<512x200xf32>
    %get3A_57 = arith.constant 0 : index
    %get3A_58 = arith.constant 0 : index
    %get3A_59 = vector.load %arg7[%get3A_57, %get3A_58] : memref<1x200xf32, #tpu.memory_space<vmem>>, vector<1x200xf32>
    %add3A_60 = vector.broadcast %get3A_59 : vector<1x200xf32> to vector<512x200xf32>
    %add3A_61 = arith.addf %add3A_56, %add3A_60 : vector<512x200xf32>
    %max3A = arith.constant 0.000000e+00 : f32
    %max3A_62 = vector.broadcast %max3A : f32 to vector<512x200xf32>
    %max3A_63 = arith.maximumf %add3A_61, %max3A_62 : vector<512x200xf32>
    %get3A_64 = arith.constant 0 : index
    %get3A_65 = arith.constant 0 : index
    %get3A_66 = vector.load %arg8[%get3A_64, %get3A_65] : memref<200x200xf32, #tpu.memory_space<vmem>>, vector<200x200xf32>
    %dot_general3A_67 = arith.constant dense<0.000000e+00> : vector<512x200xf32>
    %dot_general3A_68 = tpu.matmul %max3A_63, %get3A_66, %dot_general3A_67 {dimension_numbers = #tpu.dot_dimension_numbers<[1], [0], [0], [1], [0, 0, 1, 1], [], []>, transpose_lhs_hint = false} : vector<512x200xf32>, vector<200x200xf32>, vector<512x200xf32> -> vector<512x200xf32>
    %get3A_69 = arith.constant 0 : index
    %get3A_70 = arith.constant 0 : index
    %get3A_71 = vector.load %arg9[%get3A_69, %get3A_70] : memref<1x200xf32, #tpu.memory_space<vmem>>, vector<1x200xf32>
    %add3A_72 = vector.broadcast %get3A_71 : vector<1x200xf32> to vector<512x200xf32>
    %add3A_73 = arith.addf %dot_general3A_68, %add3A_72 : vector<512x200xf32>
    %max3A_74 = arith.constant 0.000000e+00 : f32
    %max3A_75 = vector.broadcast %max3A_74 : f32 to vector<512x200xf32>
    %max3A_76 = arith.maximumf %add3A_73, %max3A_75 : vector<512x200xf32>
    %get3A_77 = arith.constant 0 : index
    %get3A_78 = arith.constant 0 : index
    %get3A_79 = vector.load %arg10[%get3A_77, %get3A_78] : memref<200x200xf32, #tpu.memory_space<vmem>>, vector<200x200xf32>
    %dot_general3A_80 = arith.constant dense<0.000000e+00> : vector<512x200xf32>
    %dot_general3A_81 = tpu.matmul %max3A_76, %get3A_79, %dot_general3A_80 {dimension_numbers = #tpu.dot_dimension_numbers<[1], [0], [0], [1], [0, 0, 1, 1], [], []>, transpose_lhs_hint = false} : vector<512x200xf32>, vector<200x200xf32>, vector<512x200xf32> -> vector<512x200xf32>
    %get3A_82 = arith.constant 0 : index
    %get3A_83 = arith.constant 0 : index
    %get3A_84 = vector.load %arg11[%get3A_82, %get3A_83] : memref<1x200xf32, #tpu.memory_space<vmem>>, vector<1x200xf32>
    %add3A_85 = vector.broadcast %get3A_84 : vector<1x200xf32> to vector<512x200xf32>
    %add3A_86 = arith.addf %dot_general3A_81, %add3A_85 : vector<512x200xf32>
    %max3A_87 = arith.constant 0.000000e+00 : f32
    %max3A_88 = vector.broadcast %max3A_87 : f32 to vector<512x200xf32>
    %max3A_89 = arith.maximumf %add3A_86, %max3A_88 : vector<512x200xf32>
    %get3A_90 = arith.constant 0 : index
    %get3A_91 = arith.constant 0 : index
    %get3A_92 = vector.load %arg12[%get3A_90, %get3A_91] : memref<200x1xf32, #tpu.memory_space<vmem>>, vector<200x1xf32>
    %dot_general3A_93 = arith.constant dense<0.000000e+00> : vector<512x1xf32>
    %dot_general3A_94 = tpu.matmul %max3A_89, %get3A_92, %dot_general3A_93 {dimension_numbers = #tpu.dot_dimension_numbers<[1], [0], [0], [1], [0, 0, 1, 1], [], []>, transpose_lhs_hint = false} : vector<512x200xf32>, vector<200x1xf32>, vector<512x1xf32> -> vector<512x1xf32>
    %get3A_95 = arith.constant 1 : index
    %get3A_96 = memref.load %arg13[%get3A_95] : memref<8xf32, #tpu.memory_space<smem>>
    %add3A_97 = vector.broadcast %get3A_96 : f32 to vector<512x1xf32>
    %add3A_98 = arith.addf %dot_general3A_94, %add3A_97 : vector<512x1xf32>
    %add3A_99 = arith.addf %add3A_45, %mul3A_32 : vector<512x1xf32>
    %add3A_100 = arith.addf %add3A_99, %add3A_98 : vector<512x1xf32>
    %get3A_101 = arith.constant 2 : index
    %get3A_102 = memref.load %arg13[%get3A_101] : memref<8xf32, #tpu.memory_space<smem>>
    %mul3A_103 = vector.broadcast %get3A_102 : f32 to vector<512x1xf32>
    %mul3A_104 = arith.mulf %add3A_100, %mul3A_103 : vector<512x1xf32>
    %get3A_105 = arith.constant 3 : index
    %get3A_106 = memref.load %arg13[%get3A_105] : memref<8xf32, #tpu.memory_space<smem>>
    %add3A_107 = vector.broadcast %get3A_106 : f32 to vector<512x1xf32>
    %add3A_108 = arith.addf %mul3A_104, %add3A_107 : vector<512x1xf32>
    %logistic3A = arith.negf %add3A_108 : vector<512x1xf32>
    %logistic3A_109 = math.exp %logistic3A : vector<512x1xf32>
    %logistic3A_110 = arith.constant 1.000000e+00 : f32
    %logistic3A_111 = vector.broadcast %logistic3A_110 : f32 to vector<512x1xf32>
    %logistic3A_112 = arith.addf %logistic3A_111, %logistic3A_109 : vector<512x1xf32>
    %logistic3A_113 = arith.divf %logistic3A_111, %logistic3A_112 : vector<512x1xf32>
    %swap3A = arith.constant 0 : index
    %swap3A_114 = arith.constant 0 : index
    %swap3A_115 = vector.load %arg14[%swap3A, %swap3A_114] : memref<512x1xf32, #tpu.memory_space<vmem>>, vector<512x1xf32>
    tpu.vector_store %arg14[%swap3A, %swap3A_114], %logistic3A_113 {strides = array<i32>} : memref<512x1xf32, #tpu.memory_space<vmem>>, vector<512x1xf32>,
    %get3A_116 = arith.constant 4 : index
    %get3A_117 = memref.load %arg13[%get3A_116] : memref<8xf32, #tpu.memory_space<smem>>
    %mul3A_118 = vector.broadcast %get3A_117 : f32 to vector<512x1xf32>
    %mul3A_119 = arith.mulf %add3A_100, %mul3A_118 : vector<512x1xf32>
    %get3A_120 = arith.constant 5 : index
    %get3A_121 = memref.load %arg13[%get3A_120] : memref<8xf32, #tpu.memory_space<smem>>
    %add3A_122 = vector.broadcast %get3A_121 : f32 to vector<512x1xf32>
    %add3A_123 = arith.addf %mul3A_119, %add3A_122 : vector<512x1xf32>
    %logistic3A_124 = arith.negf %add3A_123 : vector<512x1xf32>
    %logistic3A_125 = math.exp %logistic3A_124 : vector<512x1xf32>
    %logistic3A_126 = arith.constant 1.000000e+00 : f32
    %logistic3A_127 = vector.broadcast %logistic3A_126 : f32 to vector<512x1xf32>
    %logistic3A_128 = arith.addf %logistic3A_127, %logistic3A_125 : vector<512x1xf32>
    %logistic3A_129 = arith.divf %logistic3A_127, %logistic3A_128 : vector<512x1xf32>
    %swap3A_130 = arith.constant 0 : index
    %swap3A_131 = arith.constant 0 : index
    %swap3A_132 = vector.load %arg15[%swap3A_130, %swap3A_131] : memref<512x1xf32, #tpu.memory_space<vmem>>, vector<512x1xf32>
    tpu.vector_store %arg15[%swap3A_130, %swap3A_131], %logistic3A_129 {strides = array<i32>} : memref<512x1xf32, #tpu.memory_space<vmem>>, vector<512x1xf32>,
    return
  }
  func.func @transform_0(%arg0: i32) -> (i32, i32) {
    %c0_i32 = arith.constant 0 : i32
    %c0_i32_0 = arith.constant 0 : i32
    return %arg0, %c0_i32 : i32, i32
  }
  func.func @transform_1(%arg0: i32) -> (i32, i32) {
    %c0_i32 = arith.constant 0 : i32
    %c0_i32_0 = arith.constant 0 : i32
    return %arg0, %c0_i32 : i32, i32
  }
  func.func @transform_2(%arg0: i32) -> (i32, i32) {
    %c0_i32 = arith.constant 0 : i32
    %c0_i32_0 = arith.constant 0 : i32
    return %arg0, %c0_i32 : i32, i32
  }
  func.func @transform_3(%arg0: i32) -> (i32, i32) {
    %c0_i32 = arith.constant 0 : i32
    %c0_i32_0 = arith.constant 0 : i32
    %c0_i32_1 = arith.constant 0 : i32
    return %c0_i32, %c0_i32_0 : i32, i32
  }
  func.func @transform_4(%arg0: i32) -> (i32, i32) {
    %c0_i32 = arith.constant 0 : i32
    %c0_i32_0 = arith.constant 0 : i32
    %c0_i32_1 = arith.constant 0 : i32
    return %c0_i32, %c0_i32_0 : i32, i32
  }
  func.func @transform_5(%arg0: i32) -> (i32, i32) {
    %c0_i32 = arith.constant 0 : i32
    %c0_i32_0 = arith.constant 0 : i32
    %c0_i32_1 = arith.constant 0 : i32
    return %c0_i32, %c0_i32_0 : i32, i32
  }
  func.func @transform_6(%arg0: i32) -> (i32, i32) {
    %c0_i32 = arith.constant 0 : i32
    %c0_i32_0 = arith.constant 0 : i32
    %c0_i32_1 = arith.constant 0 : i32
    return %c0_i32, %c0_i32_0 : i32, i32
  }
  func.func @transform_7(%arg0: i32) -> (i32, i32) {
    %c0_i32 = arith.constant 0 : i32
    %c0_i32_0 = arith.constant 0 : i32
    %c0_i32_1 = arith.constant 0 : i32
    return %c0_i32, %c0_i32_0 : i32, i32
  }
  func.func @transform_8(%arg0: i32) -> (i32, i32) {
    %c0_i32 = arith.constant 0 : i32
    %c0_i32_0 = arith.constant 0 : i32
    %c0_i32_1 = arith.constant 0 : i32
    return %c0_i32, %c0_i32_0 : i32, i32
  }
  func.func @transform_9(%arg0: i32) -> (i32, i32) {
    %c0_i32 = arith.constant 0 : i32
    %c0_i32_0 = arith.constant 0 : i32
    %c0_i32_1 = arith.constant 0 : i32
    return %c0_i32, %c0_i32_0 : i32, i32
  }
  func.func @transform_10(%arg0: i32) -> (i32, i32) {
    %c0_i32 = arith.constant 0 : i32
    %c0_i32_0 = arith.constant 0 : i32
    %c0_i32_1 = arith.constant 0 : i32
    return %c0_i32, %c0_i32_0 : i32, i32
  }
  func.func @transform_11(%arg0: i32) -> (i32, i32) {
    %c0_i32 = arith.constant 0 : i32
    %c0_i32_0 = arith.constant 0 : i32
    %c0_i32_1 = arith.constant 0 : i32
    return %c0_i32, %c0_i32_0 : i32, i32
  }
  func.func @transform_12(%arg0: i32) -> i32 {
    %c0_i32 = arith.constant 0 : i32
    %c0_i32_0 = arith.constant 0 : i32
    return %c0_i32 : i32
  }
  func.func @transform_13(%arg0: i32) -> (i32, i32) {
    %c0_i32 = arith.constant 0 : i32
    %c0_i32_0 = arith.constant 0 : i32
    return %arg0, %c0_i32 : i32, i32
  }
  func.func @transform_14(%arg0: i32) -> (i32, i32) {
    %c0_i32 = arith.constant 0 : i32
    %c0_i32_0 = arith.constant 0 : i32
    return %arg0, %c0_i32 : i32, i32
  }
}

</mosaic_0001>

<sc_bundles>
// kernel: kernel.4.cloned.1.call-start
scs
__scs_entry_jumppad:
0x0: {  	(pc) =	sbr.rel $0x88, $3  }
0x1: {  	(tag) =	ssettag $0x0;
	lr =	simm.s32 $0x1  }
0x2: {  	[smem:$0x3F8F] =	sst lr;
	_ =	strace $0xD0000000  }
0x3: {  	_ = 	snop  }
0x4: {  	_ = 	snop  }
0x5: {  	_ = 	snop  }
0x6: {  	_ = 	snop  }
0x7: {  	_ = 	snop  }
__scs_overlays_trampoline_lowered:
0x8: {  	[smem:$0x3F9E] =	sst s0  }
0x9: {  	[smem:$0x3F9F] =	sst s1  }
0xa: {  	[smem:$0x3FA0] =	sst s2  }
0xb: {  	[smem:$0x3FA1] =	sst s3  }
0xc: {  	[smem:$0x3FA2] =	sst s4  }
0xd: {  	[smem:$0x3FA3] =	sst s5  }
0xe: {  	[smem:$0x3FA4] =	sst s6  }
0xf: {  	[smem:$0x3FA5] =	sst s7  }
0x10: {  	[smem:$0x3FA6] =	sst s8  }
0x11: {  	[smem:$0x3FA7] =	sst s9;
	s0 =	simm.s32 @!p0 $0x0  }
0x12: {  	s1 =	sld [smem:$0x3F8D];
	s0 =	simm.s32 @p0 $0x1  }
0x13: {  	[smem:$0x3FA8] =	sst s0;
	s0 =	simm.s32 @!p1 $0x0  }
0x14: {  	s2 =	sld [smem:$0x3F8C];
	s0 =	simm.s32 @p1 $0x1  }
0x15: {  	[smem:$0x3FA9] =	sst s0;
	s0 =	simm.s32 @!p2 $0x0  }
0x16: {  	s3 =	sld [smem:$0x3FDB];
	s0 =	simm.s32 @p2 $0x1  }
0x17: {  	s4 =	simm.s32 $0x1BF5;
	[smem:$0x3FAB] =	sst s0  }
0x18: {  	s0 =	sld [smem:$0x3F8E];
	_ =	swait.ge [sflag:s4], $0x0  }
0x19: {  	s7 =	sld [smem:$0x3F8F]  }
0x1a: {  	s8 =	sadd.s32 $0xFFFFE003, lr  }
0x1b: {  	s9 =	sadd.s32 $0xFFFFFEF7, lr;
	s5 =	simm.s32 $0xFFFFFFFF;
	p2 =	slt.u32 s8, $0xFFFFF086  }
0x1c: {  	p1 =	slt.u32 s9, $0xF7A;
	s5 =	simm.s32 @!p2 $0x0  }
0x1d: {  	s5 =	simm.s32 @p1 $0x1;
	p0 =	seq.s32 s7, s2  }
0x1e: {  	s7 =	smul.u32 @!p0 $0xF7A, s2;
	p2 =	seq.s32 @!p0 s5, $0x0  }
0x1f: {  	s9 =	smul.u32 $0xF7A, s1;
	s8 =	simm.s32 @!p0 $0x1BF5;
	p2 =	por !p2, p0  }
0x20: {  	[sflag:s8] =	ssyncset.s32 @!p0 $0xFFFFF086;
	s6 =	sadd.s32 @!p0 s3, s7;
	s7 =	simm.s32 @!p0 $0x108  }
0x21: {  	s3 =	sadd.s32 s3, s9;
	s6 =	sadd.s32 @!p0 $0x88, s6;
	s7 =	simm.s32 @p2 $0x1082  }
0x22: {  	[simem:s7], [sflag:s8] =	dma.local @!p0 [hbm:s6], $0xF7A  }
0x23: {  	s9 =	sor.u32 $0xD0000000, s2;
	s6 =	simm.s32 $0x108;
	_ =	swait.ge @!p0 [sflag:s8], $0x0  }
0x24: {  	s3 =	sadd.s32 $0x88, s3;
	s6 =	simm.s32 @!p1 $0x1082;
	[sflag:s4] =	ssyncset.s32 $0xFFFFF086  }
0x25: {  	[simem:s6], [sflag:s4] =	dma.local [hbm:s3], $0xF7A  }
0x26: {  	[smem:$0x3F8F] =	sst s1;
	(tag) =	ssettag s2;
	_ =	strace s9  }
0x27: {  	s1 =	sld [smem:$0x3F9F]  }
0x28: {  	s2 =	sld [smem:$0x3FA0]  }
0x29: {  	s4 =	sld [smem:$0x3FA2]  }
0x2a: {  	p0 =	seq.s32 s5, $0x0;
	s5 =	sld [smem:$0x3FA3]  }
0x2b: {  	s6 =	sld [smem:$0x3FA4]  }
0x2c: {  	s7 =	sld [smem:$0x3FA5]  }
0x2d: {  	s3 =	simm.s32 $0x108;
	s8 =	sld [smem:$0x3FA6]  }
0x2e: {  	s3 =	simm.s32 @!p0 $0x1082;
	s9 =	sld [smem:$0x3FA7]  }
0x2f: {  	lr =	sadd.s32 s0, s3;
	s0 =	sld [smem:$0x3F9E]  }
0x30: {  	s3 =	sld [smem:$0x3FA1]  }
0x31: {  	[smem:$0x3FAA] =	sst s10  }
0x32: {  	s10 =	sld [smem:$0x3FA8];
	_ =	sdelay $0x3  }
0x33: {  	p0 =	seq.s32 s10, $0x1;
	s10 =	sld [smem:$0x3FAA];
	_ =	sdelay $0x3  }
0x34: {  	[smem:$0x3FAA] =	sst s10  }
0x35: {  	s10 =	sld [smem:$0x3FA9];
	_ =	sdelay $0x3  }
0x36: {  	p1 =	seq.s32 s10, $0x1;
	s10 =	sld [smem:$0x3FAA];
	_ =	sdelay $0x3  }
0x37: {  	[smem:$0x3FAA] =	sst s10  }
0x38: {  	s10 =	sld [smem:$0x3FAB]  }
0x39: {  	_ = 	snop;
	(pc) =	sbr.ind lr, $3  }
0x3a: {  	_ = 	snop  }
0x3b: {  	_ = 	snop  }
0x3c: {  	p2 =	seq.s32 s10, $0x1;
	s10 =	sld [smem:$0x3FAA]  }
0x3d: {  	_ =	shalt  }
0x3e: {  	_ =	shalt  }
0x3f: {  	_ =	shalt  }
0x40: {  	_ =	shalt  }
0x41: {  	_ =	shalt  }
0x42: {  	_ =	shalt  }
0x43: {  	_ =	shalt  }
0x44: {  	_ =	shalt  }
0x45: {  	_ =	shalt  }
0x46: {  	_ =	shalt  }
0x47: {  	_ =	shalt  }
0x48: {  	_ =	shalt  }
0x49: {  	_ =	shalt  }
0x4a: {  	_ =	shalt  }
0x4b: {  	_ =	shalt  }
0x4c: {  	_ =	shalt  }
0x4d: {  	_ =	shalt  }
0x4e: {  	_ =	shalt  }
0x4f: {  	_ =	shalt  }
0x50: {  	_ =	shalt  }
0x51: {  	_ =	shalt  }
0x52: {  	_ =	shalt  }
0x53: {  	_ =	shalt  }
0x54: {  	_ =	shalt  }
0x55: {  	_ =	shalt  }
0x56: {  	_ =	shalt  }
0x57: {  	_ =	shalt  }
0x58: {  	_ =	shalt  }
0x59: {  	_ =	shalt  }
0x5a: {  	_ =	shalt  }
0x5b: {  	_ =	shalt  }
0x5c: {  	_ =	shalt  }
0x5d: {  	_ =	shalt  }
0x5e: {  	_ =	shalt  }
0x5f: {  	_ =	shalt  }
0x60: {  	_ =	shalt  }
0x61: {  	_ =	shalt  }
0x62: {  	_ =	shalt  }
0x63: {  	_ =	shalt  }
0x64: {  	_ =	shalt  }
0x65: {  	_ =	shalt  }
0x66: {  	_ =	shalt  }
0x67: {  	_ =	shalt  }
0x68: {  	_ =	shalt  }
0x69: {  	_ =	shalt  }
0x6a: {  	_ =	shalt  }
0x6b: {  	_ =	shalt  }
0x6c: {  	_ =	shalt  }
0x6d: {  	_ =	shalt  }
0x6e: {  	_ =	shalt  }
0x6f: {  	_ =	shalt  }
0x70: {  	_ =	shalt  }
0x71: {  	_ =	shalt  }
0x72: {  	_ =	shalt  }
0x73: {  	_ =	shalt  }
0x74: {  	_ =	shalt  }
0x75: {  	_ =	shalt  }
0x76: {  	_ =	shalt  }
0x77: {  	_ =	shalt  }
0x78: {  	_ =	shalt  }
0x79: {  	_ =	shalt  }
0x7a: {  	_ =	shalt  }
0x7b: {  	_ =	shalt  }
0x7c: {  	_ =	shalt  }
0x7d: {  	_ =	shalt  }
0x7e: {  	_ =	shalt  }
0x7f: {  	_ =	shalt  }
0x80: {  	_ =	shalt  }
0x81: {  	_ =	shalt  }
0x82: {  	_ =	shalt  }
0x83: {  	_ =	shalt  }
0x84: {  	_ =	shalt  }
0x85: {  	_ =	shalt  }
0x86: {  	_ =	shalt  }
0x87: {  	_ =	shalt  }
.Lfunc_end0:
.L_simem_size_0:
called_computation_lowered:
.L_overlay_start_0:
0x88: {  	s2 =	sld [smem:$0x3FD9]  }
0x89: {  	s3 =	sld [smem:$0x3FFE];
	_ =	sdelay $0x1  }
0x8a: {  	s1 =	srdreg.scid  }
0x8b: {  	s0 =	sand.u32 $0x1, s1  }
0x8c: {  	s16 =	sshll.u32 s0, $0xA;
	s2 =	sadd.s32 s3, s2  }
0x8d: {  	s2 =	sadd.s32 s2, s16  }
0x8e: {  	[smem:$0x3FB6] =	sst s2  }
0x8f: {  	_ = 	snop  }
0x90: {  	(tm) =	ssettm $0x1  }
0x91: {  	s17 =	sld [smem:$0x3FFB];
	_ =	sdelay $0x3  }
0x92: {  	_ =	strace s17  }
0x93: {  	s2 =	sld [smem:$0x3FFC];
	_ =	sdelay $0x3  }
0x94: {  	_ =	strace s2  }
0x95: {  	s2 =	sld [smem:$0x3FFD];
	_ =	sdelay $0x3  }
0x96: {  	_ =	strace s2  }
0x97: {  	_ =	strace $0x8FFFFFFF  }
0x98: {  	s18 =	sld [smem:$0x3FDB];
	_ =	sdelay $0x1  }
0x99: {  	s19 =	simm.s32 $_scs_section_size  }
0x9a: {  	s4 =	simm.s32 $_size__tile_overlayer_lowered;
	s5 =	simm.s32 $_tile_overlayer_lowered  }
0x9b: {  	s22 =	simm.s32 $0x1BFF;
	s21 =	sshll.u32 s5, $0x1;
	s2 =	sadd.s32 s19, s18  }
0x9c: {  	s6 =	simm.s32 $0x0;
	s20 =	sshll.u32 s4, $0x1;
	s4 =	sadd.s32 s21, s2  }
0x9d: {  	[timem:s6], [sflag:s22] =	dma.local [hbm:s4], s20  }
0x9e: {  	_ =	swait.ge [sflag:s22], s20  }
0x9f: {  	s3 =	ssub.s32 $0x0, s20;
	[sflag:s22] =	ssyncset.done $0x0  }
0xa0: {  	[sflag:s22] =	ssyncadd.s32 s3;
	_ =	sdelay $0x1  }
0xa1: {  	s23 =	simm.s32 $0x1B8B  }
0xa2: {  	_ =	swait.ge [sflag:s23], $0x1  }
0xa3: {  	[sflag:s23] =	ssyncset.done $0x0  }
0xa4: {  	s25 =	simm.s32 $0x1B8E;
	s24 =	sld [smem:$0x3FFE];
	[sflag:s23] =	ssyncadd.s32 $0xFFFFFFFF  }
0xa5: {  	s26 =	simm.s32 $execute0_lowered;
	[smem:$0x3FD2] =	sst s25  }
0xa6: {  	s4 =	sshll.u32 s26, $0x1;
	_ =	strace $0x80000046;
	[dreg:$0x1] =	wrdreg $0xFFFFFFFF  }
0xa7: {  	s28 =	simm.s32 $_size_execute0_lowered;
	s2 =	sadd.s32 s2, s4;
	[dreg:$0x0] =	wrdreg $0x0  }
0xa8: {  	s4 =	sshll.u32 s28, $0x1;
	[dreg:$0x2] =	wrdreg s2  }
0xa9: {  	[dreg:$0x3] =	wrdreg s4  }
0xaa: {  	[dreg:$0x4] =	wrdreg $0xC0  }
0xab: {  	_ =	task [dreg:s6], $0x5FFFF  }
0xac: {  	[dreg:$0x1] =	wrdreg $0xFFFFFFFF  }
0xad: {  	[dreg:$0x0] =	wrdreg $0x60  }
0xae: {  	[dreg:$0x2] =	wrdreg s24  }
0xaf: {  	[dreg:$0x3] =	wrdreg $0x9  }
0xb0: {  	_ =	task.clear_ibuf [dreg:s6], $0x4FFFF;
	_ =	strace $0x90000046  }
0xb1: {  	s29 =	simm.s32 $0x9;
	_ =	strace $0x80000048  }
0xb2: {  	_ =	swait.ge [sflag:s29], $0x1  }
0xb3: {  	[sflag:s29] =	ssyncadd.s32 $0xFFFFFFFF  }
0xb4: {  	_ =	strace $0x90000048  }
0xb5: {  	_ =	sfence  }
0xb6: {  	s30 =	sld [smem:$0x0];
	_ =	sdelay $0x2  }
0xb7: {  	s31 =	sshll.u32 s1, $0xD;
	s1 =	sshrl.u32 s1, $0x2  }
0xb8: {  	s3 =	sand.u32 $0x4000, s31;
	s1 =	sadd.s32 s1, s30  }
0xb9: {  	s0 =	sor.u32 s3, s0;
	s1 =	sshll.u32 s1, $0x11  }
0xba: {  	s0 =	sor.u32 s1, s0  }
0xbb: {  	s0 =	sadd.s32 $0x8F2B, s0  }
0xbc: {  	[sflag:s0] =	ssyncadd.remote.s32 $0x1  }
0xbd: {  	_ =	sfence.sel $0xFFFF  }
0xbe: {  	[dreg:$0x0] =	wrdreg $0xFFFFFFFF;
	(pc) =	sbr.abs _section_cstart, $3  }
0xbf: {  	[dreg:$0x1] =	wrdreg $0xFFFFFFFF  }
0xc0: {  	_ =	task.clear_ibuf [dreg:s6], $0x2FFFF;
	_ =	strace $0x9FFFFFFF  }
0xc1: {  	(tm) =	ssettm $0x7FFFFFFF  }
tec
execute0_lowered:
.L_overlay_start_1:
0x0: {  	(tag) =	ssettag $0x1  }
0x1: {  	s1 =	srdreg.scid  }
0x2: {  	s0 =	stileid.u32;
	s6 =	rddreg [dreg:$0x0]  }
0x3: {  	s2 =	simm.s32 $0x0;
	s12 =	simm.s32 $0x3C00;
	s13 =	simm.s32 $0x1  }
0x4: {  	s14 =	simm.s32 $0x2;
	s15 =	simm.s32 $0x0;
	s7 =	smul.u32 $0x68000, s0  }
0x5: {  	s5 =	sand.u32 $0x1, s1;
	s29 =	sshll.u32 s0, $0x1;
	s9 =	smul.u32 $0x6800, s0  }
0x6: {  	[smem:$0x7FF] =	sst s2;
	s4 =	sadd.s32 $0x2400, s6;
	s8 =	smul.u32 $0x34000, s5  }
0x7: {  	s1 =	sor.u32 s5, s29;
	s11 =	smul.u32 $0x3400, s5;
	s5 =	ssub.s32 $0x2, s5  }
0x8: {  	s3 =	smul.u32 $0x3400, s1;
	s1 =	rddreg [dreg:$0x1];
	_ =	strace $0x80000047  }
0x9: {  	s31 =	sshrl.u32 s5, $0x1;
	s7 =	sadd.s32 s8, s7;
	s30 =	sadd.s32 s11, s9  }
0xa: {  	s9 =	ssub.s32 s5, s31;
	s11 =	simm.s32 $0x3400;
	s3 =	sshrl.u32 s3, $0x3  }
0xb: {  	s7 =	sshrl.u32 s7, $0x3;
	s8 =	sshrl.u32 s30, $0x3;
	s10 =	sadd.s32 s3, s6  }
0xc: {  	s3 =	sadd.s32 $0x27AE800, s6;
	s7 =	sadd.s32 s7, s6;
	s8 =	sadd.s32 s8, s6  }
0xd: {  	s6 =	smax.u32 s9, $0x1;
	s9 =	simm.s32 $0x3;
	s5 =	sadd.s32 $0x51A00, s10  }
0xe: {  	s7 =	sadd.s32 $0x5EA00, s7;
	s8 =	sadd.s32 $0x12EA00, s8;
	s10 =	simm.s32 $0x80  }
.LBB2_1:
0xf: {  	[tilespmem:s2], [sflag:$0x3] =	stream.linear.gather [hbm4b:s5+s2], $0x3400, $0x38;
	[tilespmem:$0x3C80] =	vst v63  }
0x10: {  	_ =	swait.ge [sflag:s9], $0x3400  }
0x11: {  	[sflag:s9] =	ssyncset.done $0x0  }
0x12: {  	[sflag:s9] =	ssyncadd.s32 $0xFFFFCC00  }
0x13: {  	[tilespmem:s11], [sflag:$0x1] =	stream.indirect.gather [hbm4b:s3+s10], $0x10, s2, s10, $0xb8;
	[tilespmem:$0x3C80] =	vst v63  }
0x14: {  	_ = 	snop  }
0x15: {  	[tilespmem:s12], [sflag:$0x2] =	stream.indirect.gather [hbm4b:s4+s10], $0x1, s2, s10, $0xb8;
	[tilespmem:$0x3C80] =	vst v63  }
0x16: {  	_ =	swait.ge [sflag:s13], $0x800  }
0x17: {  	[sflag:s13] =	ssyncset.done $0x0  }
0x18: {  	[sflag:s13] =	ssyncadd.s32 $0xFFFFF800  }
0x19: {  	_ =	swait.ge [sflag:s14], $0x80  }
0x1a: {  	[sflag:s14] =	ssyncset.done $0x0  }
0x1b: {  	[sflag:s14] =	ssyncadd.s32 $0xFFFFFF80  }
0x1c: {  	[hbm4b:s7+s2] =	stream.linear.scatter [tilespmem:s11], [sflag:$0x3], $0x800, $0x38;
	[tilespmem:$0x3C80] =	vst v63  }
0x1d: {  	_ =	swait.ge [sflag:s9], $0x800  }
0x1e: {  	[sflag:s9] =	ssyncset.done $0x0  }
0x1f: {  	s16 =	sadd.s32 $0x0, s8;
	[sflag:s9] =	ssyncadd.s32 $0xFFFFF800  }
0x20: {  	[hbm4b:s16+s2] =	stream.linear.scatter [tilespmem:s12], [sflag:$0x3], $0x80, $0x38;
	[tilespmem:$0x3C80] =	vst v63  }
0x21: {  	s17 =	smov.u32 s7;
	_ =	swait.ge [sflag:s9], $0x80  }
0x22: {  	s18 =	simm.s32 $0x0;
	s16 =	simm.s32 $0x10;
	[sflag:s9] =	ssyncset.done $0x0  }
.LBB2_2:
0x23: {  	[sflag:s9] =	ssyncadd.s32 $0xFFFFFF80;
	s17 =	sadd.s32 $0x100, s17;
	s18 =	sadd.s32 $0x80, s18  }
0x24: {  	[tilespmem:s11], [sflag:$0x1] =	stream.indirect.gather [hbm4b:s3+s10], $0x10, s18, s10, $0xb8;
	[tilespmem:$0x3C80] =	vst v63  }
0x25: {  	p0 =	sne.s32 s16, $0x670;
	s19 =	smov.u32 s16;
	s16 =	sadd.s32 $0x10, s16  }
0x26: {  	[tilespmem:s12], [sflag:$0x2] =	stream.indirect.gather [hbm4b:s4+s10], $0x1, s18, s10, $0xb8;
	[tilespmem:$0x3C80] =	vst v63  }
0x27: {  	_ =	swait.ge [sflag:s13], $0x800  }
0x28: {  	[sflag:s13] =	ssyncset.done $0x0  }
0x29: {  	[sflag:s13] =	ssyncadd.s32 $0xFFFFF800  }
0x2a: {  	_ =	swait.ge [sflag:s14], $0x80  }
0x2b: {  	[sflag:s14] =	ssyncset.done $0x0  }
0x2c: {  	[sflag:s14] =	ssyncadd.s32 $0xFFFFFF80  }
0x2d: {  	[hbm4b:s17+s2] =	stream.linear.scatter [tilespmem:s11], [sflag:$0x3], $0x800, $0x38;
	[tilespmem:$0x3C80] =	vst v63  }
0x2e: {  	_ =	swait.ge [sflag:s9], $0x800  }
.Ltmp0:
0x2f: {  	[sflag:s9] =	ssyncset.done $0x0;
	(pc) =	sbr.rel @p0 .LBB2_2-.Ltmp0, $4  }
0x30: {  	s19 =	sadd.s32 s19, s8;
	[sflag:s9] =	ssyncadd.s32 $0xFFFFF800  }
0x31: {  	[hbm4b:s19+s2] =	stream.linear.scatter [tilespmem:s12], [sflag:$0x3], $0x80, $0x38;
	[tilespmem:$0x3C80] =	vst v63  }
0x32: {  	_ =	swait.ge [sflag:s9], $0x80  }
0x33: {  	[sflag:s9] =	ssyncset.done $0x0  }
0x34: {  	s15 =	sadd.s32 $0x1, s15  }
0x35: {  	p0 =	sne.s32 s15, s6  }
.Ltmp1:
0x36: {  	_ = 	snop;
	(pc) =	sbr.rel @p0 .LBB2_1-.Ltmp1, $2  }
0x37: {  	_ =	sdelay $0x2  }
0x38: {  	[sflag:s9] =	ssyncadd.s32 $0xFFFFFF80  }
0x39: {  	_ =	sfence.sel $0x180000  }
0x3a: {  	[bflag:$0x0] =	sbarrier.arrive $0xFFFF  }
0x3b: {  	p0 =	sne.s32 s0, $0x0;
	_ =	strace $0x90000047  }
0x3c: {  	s0 =	sadd.s32 @!p0 $0x100000, s1;
	[bflag:$0x2] =	sbarrier.arrive $0xFFFF  }
0x3d: {  	[sflag:s0] =	ssyncadd.tile.s32 @!p0 $0x1;
	_ =	shalt  }
.Lfunc_end2:
_tile_overlayer_lowered:
.L_overlay_start_2:
0x3e: {  	(tag) =	ssettag $0x2  }
0x3f: {  	s0 =	rddreg [dreg:$0x0];
	s2 =	stileid.u32  }
0x40: {  	s1 =	rddreg [dreg:$0x1];
	p0 =	sne.s32 s2, $0x0  }
0x41: {  	s3 =	rddreg [dreg:$0x2];
	[bflag:$0x3] =	sbarrier.arrive $0xFFFF;
	s2 =	simm.s32 @!p0 $0x1C03  }
0x42: {  	[timem:s3], [sflag:s2] =	dma.local @!p0 [hbm:s0], s1  }
0x43: {  	s0 =	simm.s32 @!p0 $0x3  }
0x44: {  	_ =	swait.ge @!p0 [sflag:s0], s1  }
0x45: {  	s1 =	ssub.s32 @!p0 $0x0, s1;
	[sflag:s0] =	ssyncset.done @!p0 $0x0  }
0x46: {  	[sflag:s0] =	ssyncadd.s32 @!p0 s1  }
0x47: {  	[bflag:$0x3] =	sbarrier.arrive $0xFFFF  }
0x48: {  	_ =	shalt  }

</sc_bundles>
